<compile_context>
chip_gen: v7x
topology: tpu7x:2x2x1
jax: 0.10.2.dev20260603
libtpu: 0.0.44.dev20260713+nightly
codegen_flags: <defaults>
</compile_context>

<pallas_src>
import functools

import jax
import jax.numpy as jnp
from jax import lax
from jax.experimental import pallas as pl
from jax.experimental.pallas import tpu as pltpu
from jax.experimental.pallas import tpu_sc as plsc

_NC = 1
_ACTIVE = 16


def _argmin_body(x_ref, t_ref, ind_ref):
    t = t_ref[...]
    xt = x_ref[...].T
    dots = jnp.dot(t, xt, preferred_element_type=jnp.float32,
                   precision=lax.Precision.HIGHEST)
    tnorm = 0.5 * jnp.sum(t * t, axis=1)
    s = tnorm[:, None] - dots
    bmin = jnp.min(s, axis=0)
    iota = lax.broadcasted_iota(jnp.int32, s.shape, 0)
    masked = jnp.where(s == bmin[None, :], iota, jnp.int32(s.shape[0]))
    ind_ref[...] = jnp.min(masked, axis=0)


def _nearest_index(x, train_x):
    q = x.shape[0]
    m, dim = train_x.shape
    return pl.pallas_call(
        _argmin_body,
        out_shape=jax.ShapeDtypeStruct((q,), jnp.int32),
    )(x, train_x)


def _label_gather(ind, train_y):
    b = ind.shape[0]
    b_per_w = b // _ACTIVE
    mesh = plsc.VectorSubcoreMesh(core_axis_name="c", subcore_axis_name="s", num_cores=1)

    @functools.partial(
        pl.kernel,
        mesh=mesh,
        out_type=jax.ShapeDtypeStruct((b,), jnp.float32),
        scratch_types=[
            pltpu.VMEM((b_per_w,), jnp.int32),
            pltpu.VMEM((b_per_w,), jnp.float32),
            pltpu.SemaphoreType.DMA,
        ],
    )
    def gather_kernel(ind_hbm, ty_hbm, out_hbm, idx_v, out_v, sem):
        wid = lax.axis_index("s") * _NC + lax.axis_index("c")
        base = wid * b_per_w

        @pl.when(wid < _ACTIVE)
        def _():
            pltpu.sync_copy(ind_hbm.at[pl.ds(base, b_per_w)], idx_v)
            pltpu.async_copy(ty_hbm.at[idx_v], out_v, sem).wait()
            pltpu.sync_copy(out_v, out_hbm.at[pl.ds(base, b_per_w)])

    return gather_kernel(ind, train_y)


def kernel(x, train_x, train_y):
    ind = _nearest_index(x, train_x)
    return _label_gather(ind, train_y)

# --- scband reference (transcript-rebuilt; emitter-appended) ---
"""Pipeline reference for scband-dcm-38113539784875 (READ-ONLY COPY).

The authoritative reference and input builder live on the scoring server;
editing this copy changes nothing except your own understanding.
"""

import jax, jax.numpy as jnp
import numpy as np

Q, M, DIM = 512, 2048, 128

def setup_inputs(seed: int = 0) -> dict:
    key = jax.random.key(seed)
    k1, k2, k3 = jax.random.split(key, 3)
    x = jax.random.normal(k1, (Q, DIM), dtype=jnp.float32)
    train_x = jax.random.normal(k2, (M, DIM), dtype=jnp.float32)
    train_y = jax.random.uniform(k3, (M,), dtype=jnp.float32)
    return {"x": x, "train_x": train_x, "train_y": train_y}

def reference(x, train_x, train_y):
    # Faithful to DCM.forward: d = (ones[N, M, dim] * train_x[None] - x[:, None]).norm(dim=-1)
    N, dim = x.shape
    Mloc = train_x.shape[0]
    diff = jnp.ones((N, Mloc, dim), dtype=x.dtype) * train_x[None, :, :] - x[:, None, :]
    d = jnp.linalg.norm(diff, axis=-1)
    ind = jnp.argmin(d, axis=-1)
    return train_y[ind]

if __name__ == "__main__":
    import jax
    _d = setup_inputs()
    print(jax.jit(kernel)(*tuple(_d.values())))

</pallas_src>

<mosaic_0001>
#map = affine_map<(d0, d1) -> (0)>
module attributes {stable_mosaic.version = 14 : i64} {
  func.func @gather_kernel(%arg0: i32, %arg1: i32, %arg2: memref<512xi32, #tpu.memory_space<hbm>>, %arg3: memref<2048xf32, #tpu.memory_space<hbm>>, %arg4: memref<512xf32, #tpu.memory_space<hbm>>, %arg5: memref<32xi32, #tpu.memory_space<vmem>>, %arg6: memref<32xf32, #tpu.memory_space<vmem>>, %arg7: memref<!tpu.dma_semaphore, #tpu.memory_space<semaphore_mem>>) attributes {dimension_semantics = [#tpu.dimension_semantics<core_parallel>, #tpu.dimension_semantics<subcore_parallel>], iteration_bounds = array<i64: 1, 16>, scalar_prefetch = 0 : i64, scratch_operands = 3 : i64, tpu.core_type = #tpu.core_type<sc_vector_subcore>, window_params = [{transform_indices = #map}, {transform_indices = #map}, {transform_indices = #map}]} {
    %mul3A = arith.constant 1 : i32
    %mul3A_0 = arith.muli %arg1, %mul3A : i32
    %add3A = arith.addi %mul3A_0, %arg0 : i32
    %mul3A_1 = arith.constant 32 : i32
    %mul3A_2 = arith.muli %add3A, %mul3A_1 : i32
    %lt3A = arith.constant 16 : i32
    %lt3A_3 = arith.cmpi slt, %add3A, %lt3A : i32
    %convert_element_type3A = arith.extui %lt3A_3 : i1 to i32
    %cond3A = arith.constant 0 : i32
    %cond3A_4 = arith.cmpi ne, %convert_element_type3A, %cond3A : i32
    scf.if %cond3A_4 {
      "tpu.region"() ({
        %run_scoped3A = tpu.sem_alloc : memref<!tpu.dma_semaphore, #tpu.memory_space<semaphore_mem>>
        %dma_start3A_7 = tpu.memref_slice %arg2[%mul3A_2] : memref<512xi32, #tpu.memory_space<hbm>> -> memref<32xi32, #tpu.memory_space<hbm>>
        %dma_start3A_8 = tpu.memref_slice %arg2[%mul3A_2] : memref<512xi32, #tpu.memory_space<hbm>> -> memref<32xi32, #tpu.memory_space<hbm>>
        tpu.enqueue_dma source(%dma_start3A_8 : memref<32xi32, #tpu.memory_space<hbm>>) target(%arg5 : memref<32xi32, #tpu.memory_space<vmem>>) target_semaphore(%run_scoped3A : memref<!tpu.dma_semaphore, #tpu.memory_space<semaphore_mem>>)
        %dma_wait3A_9 = tpu.memref_slice %arg2[%mul3A_2] : memref<512xi32, #tpu.memory_space<hbm>> -> memref<32xi32, #tpu.memory_space<hbm>>
        %dma_wait3A_10 = tpu.memref_slice %arg2[%mul3A_2] : memref<512xi32, #tpu.memory_space<hbm>> -> memref<32xi32, #tpu.memory_space<hbm>>
        tpu.wait_dma2 semaphore(%run_scoped3A : memref<!tpu.dma_semaphore, #tpu.memory_space<semaphore_mem>>) src(%dma_wait3A_10 : memref<32xi32, #tpu.memory_space<hbm>>) dst(%arg5 : memref<32xi32, #tpu.memory_space<vmem>>)
        tpu.yield
      }) : () -> ()
      %dma_start3A = arith.constant 0 : i32
      %dma_start3A_5 = tpu.memref_slice %arg3[%dma_start3A] : memref<2048xf32, #tpu.memory_space<hbm>> -> memref<2048xf32, #tpu.memory_space<hbm>>
      tpu.enqueue_indirect_dma source(%dma_start3A_5 : memref<2048xf32, #tpu.memory_space<hbm>>) target(%arg6 : memref<32xf32, #tpu.memory_space<vmem>>) offsets(%arg5 : memref<32xi32, #tpu.memory_space<vmem>>) semaphore(%arg7 : memref<!tpu.dma_semaphore, #tpu.memory_space<semaphore_mem>>)
      %dma_wait3A = arith.constant 0 : i32
      %dma_wait3A_6 = tpu.memref_slice %arg3[%dma_wait3A] : memref<2048xf32, #tpu.memory_space<hbm>> -> memref<2048xf32, #tpu.memory_space<hbm>>
      tpu.wait_indirect_dma semaphore(%arg7 : memref<!tpu.dma_semaphore, #tpu.memory_space<semaphore_mem>>) src(%dma_wait3A_6 : memref<2048xf32, #tpu.memory_space<hbm>>) dst(%arg6 : memref<32xf32, #tpu.memory_space<vmem>>)
      "tpu.region"() ({
        %run_scoped3A = tpu.sem_alloc : memref<!tpu.dma_semaphore, #tpu.memory_space<semaphore_mem>>
        %dma_start3A_7 = tpu.memref_slice %arg4[%mul3A_2] : memref<512xf32, #tpu.memory_space<hbm>> -> memref<32xf32, #tpu.memory_space<hbm>>
        %dma_start3A_8 = tpu.memref_slice %arg4[%mul3A_2] : memref<512xf32, #tpu.memory_space<hbm>> -> memref<32xf32, #tpu.memory_space<hbm>>
        tpu.enqueue_dma source(%arg6 : memref<32xf32, #tpu.memory_space<vmem>>) target(%dma_start3A_8 : memref<32xf32, #tpu.memory_space<hbm>>) target_semaphore(%run_scoped3A : memref<!tpu.dma_semaphore, #tpu.memory_space<semaphore_mem>>)
        %dma_wait3A_9 = tpu.memref_slice %arg4[%mul3A_2] : memref<512xf32, #tpu.memory_space<hbm>> -> memref<32xf32, #tpu.memory_space<hbm>>
        %dma_wait3A_10 = tpu.memref_slice %arg4[%mul3A_2] : memref<512xf32, #tpu.memory_space<hbm>> -> memref<32xf32, #tpu.memory_space<hbm>>
        tpu.wait_dma2 semaphore(%run_scoped3A : memref<!tpu.dma_semaphore, #tpu.memory_space<semaphore_mem>>) src(%arg6 : memref<32xf32, #tpu.memory_space<vmem>>) dst(%dma_wait3A_10 : memref<32xf32, #tpu.memory_space<hbm>>)
        tpu.yield
      }) : () -> ()
    } else {
    }
    return
  }
}

module attributes {stable_mosaic.version = 14 : i64} {
  func.func @_argmin_body(%arg0: memref<512x128xf32, #tpu.memory_space<vmem>>, %arg1: memref<2048x128xf32, #tpu.memory_space<vmem>>, %arg2: memref<512xi32, #tpu.memory_space<vmem>>) attributes {dimension_semantics = [], scalar_prefetch = 0 : i64, scratch_operands = 0 : i64, tpu.core_type = #tpu.core_type<tc>} {
    %get3A = arith.constant 0 : index
    %get3A_0 = arith.constant 0 : index
    %get3A_1 = vector.load %arg1[%get3A, %get3A_0] : memref<2048x128xf32, #tpu.memory_space<vmem>>, vector<2048x128xf32>
    %get3A_2 = arith.constant 0 : index
    %get3A_3 = arith.constant 0 : index
    %get3A_4 = vector.load %arg0[%get3A_2, %get3A_3] : memref<512x128xf32, #tpu.memory_space<vmem>>, vector<512x128xf32>
    %transpose3A = tpu.transpose %get3A_4, [1, 0] : vector<512x128xf32> -> vector<128x512xf32>
    %dot_general3A = arith.constant dense<0.000000e+00> : vector<2048x512xf32>
    %dot_general3A_5 = tpu.matmul %get3A_1, %transpose3A, %dot_general3A {dimension_numbers = #tpu.dot_dimension_numbers<[1], [0], [0], [1], [0, 0, 1, 1], [], []>, precision = #tpu.contract_precision<fp32>, transpose_lhs_hint = false} : vector<2048x128xf32>, vector<128x512xf32>, vector<2048x512xf32> -> vector<2048x512xf32>
    %mul3A = arith.mulf %get3A_1, %get3A_1 : vector<2048x128xf32>
    %reduce_sum3A = arith.constant dense<0.000000e+00> : vector<2048xf32>
    %reduce_sum3A_6 = vector.multi_reduction <add>, %mul3A, %reduce_sum3A [1] : vector<2048x128xf32> to vector<2048xf32>
    %mul3A_7 = arith.constant 5.000000e-01 : f32
    %mul3A_8 = vector.broadcast %mul3A_7 : f32 to vector<2048xf32>
    %mul3A_9 = arith.mulf %mul3A_8, %reduce_sum3A_6 : vector<2048xf32>
    %broadcast_in_dim3A = vector.shape_cast %mul3A_9 : vector<2048xf32> to vector<2048x1xf32>
    %sub3A = vector.broadcast %broadcast_in_dim3A : vector<2048x1xf32> to vector<2048x512xf32>
    %sub3A_10 = arith.subf %sub3A, %dot_general3A_5 : vector<2048x512xf32>
    %reduce_min3A = arith.constant dense<0x7F800000> : vector<512xf32>
    %reduce_min3A_11 = vector.multi_reduction <minimumf>, %sub3A_10, %reduce_min3A [0] : vector<2048x512xf32> to vector<512xf32>
    %iota3A = tpu.iota {dimensions = array<i32: 0>} : vector<2048x512xi32>
    %broadcast_in_dim3A_12 = vector.shape_cast %reduce_min3A_11 : vector<512xf32> to vector<1x512xf32>
    %eq3A = vector.broadcast %broadcast_in_dim3A_12 : vector<1x512xf32> to vector<2048x512xf32>
    %eq3A_13 = arith.cmpf oeq, %sub3A_10, %eq3A : vector<2048x512xf32>
    %jit3A = arith.constant 2048 : i32
    %broadcast_in_dim3A_14 = vector.broadcast %jit3A : i32 to vector<2048x512xi32>
    %select_n3A = arith.select %eq3A_13, %iota3A, %broadcast_in_dim3A_14 : vector<2048x512xi1>, vector<2048x512xi32>
    %reduce_min3A_15 = arith.constant dense<2147483647> : vector<512xi32>
    %reduce_min3A_16 = vector.multi_reduction <minsi>, %select_n3A, %reduce_min3A_15 [0] : vector<2048x512xi32> to vector<512xi32>
    %swap3A = arith.constant 0 : index
    %swap3A_17 = vector.load %arg2[%swap3A] : memref<512xi32, #tpu.memory_space<vmem>>, vector<512xi32>
    tpu.vector_store %arg2[%swap3A], %reduce_min3A_16 {strides = array<i32>} : memref<512xi32, #tpu.memory_space<vmem>>, vector<512xi32>,
    return
  }
}

</mosaic_0001>

<sc_bundles>
// kernel: kernel.4.cloned.1.call-start
scs
__scs_entry_jumppad:
0x0: {  	(pc) =	sbr.rel $0x88, $3  }
0x1: {  	(tag) =	ssettag $0x0;
	lr =	simm.s32 $0x1  }
0x2: {  	[smem:$0x3F9E] =	sst lr;
	_ =	strace $0xD0000000  }
0x3: {  	_ = 	snop  }
0x4: {  	_ = 	snop  }
0x5: {  	_ = 	snop  }
0x6: {  	_ = 	snop  }
0x7: {  	_ = 	snop  }
__scs_overlays_trampoline_lowered:
0x8: {  	[smem:$0x3FAD] =	sst s0  }
0x9: {  	[smem:$0x3FAE] =	sst s1  }
0xa: {  	[smem:$0x3FAF] =	sst s2  }
0xb: {  	[smem:$0x3FB0] =	sst s3  }
0xc: {  	[smem:$0x3FB1] =	sst s4  }
0xd: {  	[smem:$0x3FB2] =	sst s5  }
0xe: {  	[smem:$0x3FB3] =	sst s6  }
0xf: {  	[smem:$0x3FB4] =	sst s7  }
0x10: {  	[smem:$0x3FB5] =	sst s8  }
0x11: {  	[smem:$0x3FB6] =	sst s9;
	s0 =	simm.s32 @!p0 $0x0  }
0x12: {  	s1 =	sld [smem:$0x3F9C];
	s0 =	simm.s32 @p0 $0x1  }
0x13: {  	[smem:$0x3FB7] =	sst s0;
	s0 =	simm.s32 @!p1 $0x0  }
0x14: {  	s2 =	sld [smem:$0x3F9B];
	s0 =	simm.s32 @p1 $0x1  }
0x15: {  	[smem:$0x3FB8] =	sst s0;
	s0 =	simm.s32 @!p2 $0x0  }
0x16: {  	s3 =	sld [smem:$0x3FDB];
	s0 =	simm.s32 @p2 $0x1  }
0x17: {  	s4 =	simm.s32 $0x1BF5;
	[smem:$0x3FBA] =	sst s0  }
0x18: {  	s0 =	sld [smem:$0x3F9D];
	_ =	swait.ge [sflag:s4], $0x0  }
0x19: {  	s7 =	sld [smem:$0x3F9E]  }
0x1a: {  	s8 =	sadd.s32 $0xFFFFE003, lr  }
0x1b: {  	s9 =	sadd.s32 $0xFFFFFEF7, lr;
	s5 =	simm.s32 $0xFFFFFFFF;
	p2 =	slt.u32 s8, $0xFFFFF086  }
0x1c: {  	p1 =	slt.u32 s9, $0xF7A;
	s5 =	simm.s32 @!p2 $0x0  }
0x1d: {  	s5 =	simm.s32 @p1 $0x1;
	p0 =	seq.s32 s7, s2  }
0x1e: {  	s7 =	smul.u32 @!p0 $0xF7A, s2;
	p2 =	seq.s32 @!p0 s5, $0x0  }
0x1f: {  	s9 =	smul.u32 $0xF7A, s1;
	s8 =	simm.s32 @!p0 $0x1BF5;
	p2 =	por !p2, p0  }
0x20: {  	[sflag:s8] =	ssyncset.s32 @!p0 $0xFFFFF086;
	s6 =	sadd.s32 @!p0 s3, s7;
	s7 =	simm.s32 @!p0 $0x108  }
0x21: {  	s3 =	sadd.s32 s3, s9;
	s6 =	sadd.s32 @!p0 $0x88, s6;
	s7 =	simm.s32 @p2 $0x1082  }
0x22: {  	[simem:s7], [sflag:s8] =	dma.local @!p0 [hbm:s6], $0xF7A  }
0x23: {  	s9 =	sor.u32 $0xD0000000, s2;
	s6 =	simm.s32 $0x108;
	_ =	swait.ge @!p0 [sflag:s8], $0x0  }
0x24: {  	s3 =	sadd.s32 $0x88, s3;
	s6 =	simm.s32 @!p1 $0x1082;
	[sflag:s4] =	ssyncset.s32 $0xFFFFF086  }
0x25: {  	[simem:s6], [sflag:s4] =	dma.local [hbm:s3], $0xF7A  }
0x26: {  	[smem:$0x3F9E] =	sst s1;
	(tag) =	ssettag s2;
	_ =	strace s9  }
0x27: {  	s1 =	sld [smem:$0x3FAE]  }
0x28: {  	s2 =	sld [smem:$0x3FAF]  }
0x29: {  	s4 =	sld [smem:$0x3FB1]  }
0x2a: {  	p0 =	seq.s32 s5, $0x0;
	s5 =	sld [smem:$0x3FB2]  }
0x2b: {  	s6 =	sld [smem:$0x3FB3]  }
0x2c: {  	s7 =	sld [smem:$0x3FB4]  }
0x2d: {  	s3 =	simm.s32 $0x108;
	s8 =	sld [smem:$0x3FB5]  }
0x2e: {  	s3 =	simm.s32 @!p0 $0x1082;
	s9 =	sld [smem:$0x3FB6]  }
0x2f: {  	lr =	sadd.s32 s0, s3;
	s0 =	sld [smem:$0x3FAD]  }
0x30: {  	s3 =	sld [smem:$0x3FB0]  }
0x31: {  	[smem:$0x3FB9] =	sst s10  }
0x32: {  	s10 =	sld [smem:$0x3FB7];
	_ =	sdelay $0x3  }
0x33: {  	p0 =	seq.s32 s10, $0x1;
	s10 =	sld [smem:$0x3FB9];
	_ =	sdelay $0x3  }
0x34: {  	[smem:$0x3FB9] =	sst s10  }
0x35: {  	s10 =	sld [smem:$0x3FB8];
	_ =	sdelay $0x3  }
0x36: {  	p1 =	seq.s32 s10, $0x1;
	s10 =	sld [smem:$0x3FB9];
	_ =	sdelay $0x3  }
0x37: {  	[smem:$0x3FB9] =	sst s10  }
0x38: {  	s10 =	sld [smem:$0x3FBA]  }
0x39: {  	_ = 	snop;
	(pc) =	sbr.ind lr, $3  }
0x3a: {  	_ = 	snop  }
0x3b: {  	_ = 	snop  }
0x3c: {  	p2 =	seq.s32 s10, $0x1;
	s10 =	sld [smem:$0x3FB9]  }
0x3d: {  	_ =	shalt  }
0x3e: {  	_ =	shalt  }
0x3f: {  	_ =	shalt  }
0x40: {  	_ =	shalt  }
0x41: {  	_ =	shalt  }
0x42: {  	_ =	shalt  }
0x43: {  	_ =	shalt  }
0x44: {  	_ =	shalt  }
0x45: {  	_ =	shalt  }
0x46: {  	_ =	shalt  }
0x47: {  	_ =	shalt  }
0x48: {  	_ =	shalt  }
0x49: {  	_ =	shalt  }
0x4a: {  	_ =	shalt  }
0x4b: {  	_ =	shalt  }
0x4c: {  	_ =	shalt  }
0x4d: {  	_ =	shalt  }
0x4e: {  	_ =	shalt  }
0x4f: {  	_ =	shalt  }
0x50: {  	_ =	shalt  }
0x51: {  	_ =	shalt  }
0x52: {  	_ =	shalt  }
0x53: {  	_ =	shalt  }
0x54: {  	_ =	shalt  }
0x55: {  	_ =	shalt  }
0x56: {  	_ =	shalt  }
0x57: {  	_ =	shalt  }
0x58: {  	_ =	shalt  }
0x59: {  	_ =	shalt  }
0x5a: {  	_ =	shalt  }
0x5b: {  	_ =	shalt  }
0x5c: {  	_ =	shalt  }
0x5d: {  	_ =	shalt  }
0x5e: {  	_ =	shalt  }
0x5f: {  	_ =	shalt  }
0x60: {  	_ =	shalt  }
0x61: {  	_ =	shalt  }
0x62: {  	_ =	shalt  }
0x63: {  	_ =	shalt  }
0x64: {  	_ =	shalt  }
0x65: {  	_ =	shalt  }
0x66: {  	_ =	shalt  }
0x67: {  	_ =	shalt  }
0x68: {  	_ =	shalt  }
0x69: {  	_ =	shalt  }
0x6a: {  	_ =	shalt  }
0x6b: {  	_ =	shalt  }
0x6c: {  	_ =	shalt  }
0x6d: {  	_ =	shalt  }
0x6e: {  	_ =	shalt  }
0x6f: {  	_ =	shalt  }
0x70: {  	_ =	shalt  }
0x71: {  	_ =	shalt  }
0x72: {  	_ =	shalt  }
0x73: {  	_ =	shalt  }
0x74: {  	_ =	shalt  }
0x75: {  	_ =	shalt  }
0x76: {  	_ =	shalt  }
0x77: {  	_ =	shalt  }
0x78: {  	_ =	shalt  }
0x79: {  	_ =	shalt  }
0x7a: {  	_ =	shalt  }
0x7b: {  	_ =	shalt  }
0x7c: {  	_ =	shalt  }
0x7d: {  	_ =	shalt  }
0x7e: {  	_ =	shalt  }
0x7f: {  	_ =	shalt  }
0x80: {  	_ =	shalt  }
0x81: {  	_ =	shalt  }
0x82: {  	_ =	shalt  }
0x83: {  	_ =	shalt  }
0x84: {  	_ =	shalt  }
0x85: {  	_ =	shalt  }
0x86: {  	_ =	shalt  }
0x87: {  	_ =	shalt  }
.Lfunc_end0:
.L_simem_size_0:
called_computation_lowered:
.L_overlay_start_0:
0x88: {  	s0 =	sld [smem:$0x3FD9]  }
0x89: {  	s1 =	sld [smem:$0x3FFE];
	_ =	sdelay $0x3  }
0x8a: {  	s0 =	sadd.s32 s1, s0  }
0x8b: {  	[smem:$0x3FC5] =	sst s0  }
0x8c: {  	_ = 	snop  }
0x8d: {  	s0 =	sld [smem:$0x3FC7]  }
0x8e: {  	s16 =	sld [smem:$0x3FD0];
	(tm) =	ssettm $0x1  }
0x8f: {  	s2 =	sld [smem:$0x3FFB];
	_ =	sdelay $0x3  }
0x90: {  	_ =	strace s2  }
0x91: {  	s2 =	sld [smem:$0x3FFC];
	_ =	sdelay $0x3  }
0x92: {  	_ =	strace s2  }
0x93: {  	s2 =	sld [smem:$0x3FFD];
	_ =	sdelay $0x3  }
0x94: {  	_ =	strace s2  }
0x95: {  	_ =	strace $0x8FFFFFFF  }
0x96: {  	s17 =	sld [smem:$0x3FDB];
	_ =	sdelay $0x1  }
0x97: {  	s3 =	simm.s32 $_scs_section_size  }
0x98: {  	s4 =	simm.s32 $_size__tile_overlayer_lowered;
	s5 =	simm.s32 $_tile_overlayer_lowered  }
0x99: {  	s20 =	simm.s32 $0x1BFF;
	s19 =	sshll.u32 s5, $0x1;
	s2 =	sadd.s32 s3, s17  }
0x9a: {  	s6 =	simm.s32 $0x0;
	s18 =	sshll.u32 s4, $0x1;
	s4 =	sadd.s32 s19, s2  }
0x9b: {  	[timem:s6], [sflag:s20] =	dma.local [hbm:s4], s18  }
0x9c: {  	_ =	swait.ge [sflag:s20], s18  }
0x9d: {  	s3 =	ssub.s32 $0x0, s18;
	[sflag:s20] =	ssyncset.done $0x0  }
0x9e: {  	[sflag:s20] =	ssyncadd.s32 s3;
	_ =	sdelay $0x1  }
0x9f: {  	s21 =	simm.s32 $0x1B8B  }
0xa0: {  	_ =	swait.ge [sflag:s21], $0x1  }
0xa1: {  	[sflag:s21] =	ssyncset.done $0x0  }
0xa2: {  	s23 =	simm.s32 $0x1B8E;
	s22 =	sld [smem:$0x3FFE];
	[sflag:s21] =	ssyncadd.s32 $0xFFFFFFFF  }
0xa3: {  	s24 =	simm.s32 $execute0_lowered;
	[smem:$0x3FD2] =	sst s23  }
0xa4: {  	s4 =	sshll.u32 s24, $0x1;
	_ =	strace $0x80000046;
	[dreg:$0x1] =	wrdreg $0xFFFFFFFF  }
0xa5: {  	s25 =	simm.s32 $_size_execute0_lowered;
	s2 =	sadd.s32 s2, s4;
	[dreg:$0x0] =	wrdreg $0x0  }
0xa6: {  	s4 =	sshll.u32 s25, $0x1;
	[dreg:$0x2] =	wrdreg s2  }
0xa7: {  	[dreg:$0x3] =	wrdreg s4  }
0xa8: {  	[dreg:$0x4] =	wrdreg $0xC0  }
0xa9: {  	_ =	task [dreg:s6], $0x5FFFF  }
0xaa: {  	[dreg:$0x1] =	wrdreg $0xFFFFFFFF  }
0xab: {  	[dreg:$0x0] =	wrdreg $0x60  }
0xac: {  	[dreg:$0x2] =	wrdreg s22  }
0xad: {  	[dreg:$0x3] =	wrdreg s0  }
0xae: {  	[dreg:$0x4] =	wrdreg s16  }
0xaf: {  	[dreg:$0x5] =	wrdreg $0x9  }
0xb0: {  	_ =	task.clear_ibuf [dreg:s6], $0x6FFFF;
	_ =	strace $0x90000046  }
0xb1: {  	s26 =	simm.s32 $0x9;
	_ =	strace $0x80000048  }
0xb2: {  	_ =	swait.ge [sflag:s26], $0x1  }
0xb3: {  	[sflag:s26] =	ssyncadd.s32 $0xFFFFFFFF  }
0xb4: {  	_ =	strace $0x90000048  }
0xb5: {  	_ =	sfence  }
0xb6: {  	s28 =	sld [smem:$0x0];
	_ =	sdelay $0x1  }
0xb7: {  	s29 =	srdreg.scid  }
0xb8: {  	s30 =	sshll.u32 s29, $0xD;
	s31 =	sshrl.u32 s29, $0x2  }
0xb9: {  	s1 =	sand.u32 $0x1, s29;
	s2 =	sand.u32 $0x4000, s30;
	s0 =	sadd.s32 s31, s28  }
0xba: {  	s1 =	sor.u32 s2, s1;
	s0 =	sshll.u32 s0, $0x11  }
0xbb: {  	s0 =	sor.u32 s0, s1  }
0xbc: {  	s0 =	sadd.s32 $0x8F2B, s0  }
0xbd: {  	[sflag:s0] =	ssyncadd.remote.s32 $0x1  }
0xbe: {  	_ =	sfence.sel $0xFFFF  }
0xbf: {  	[dreg:$0x0] =	wrdreg $0xFFFFFFFF;
	(pc) =	sbr.abs _section_cstart, $3  }
0xc0: {  	[dreg:$0x1] =	wrdreg $0xFFFFFFFF  }
0xc1: {  	_ =	task.clear_ibuf [dreg:s6], $0x2FFFF;
	_ =	strace $0x9FFFFFFF  }
0xc2: {  	(tm) =	ssettm $0x7FFFFFFF  }
0xc3: {  	_ =	shalt  }
tec
execute0_lowered:
.L_overlay_start_1:
0x0: {  	(tag) =	ssettag $0x1  }
0x1: {  	s0 =	rddreg [dreg:$0x0]  }
0x2: {  	s1 =	rddreg [dreg:$0x1]  }
0x3: {  	s2 =	rddreg [dreg:$0x2];
	s3 =	stileid.u32  }
0x4: {  	s4 =	rddreg [dreg:$0x3];
	s5 =	simm.s32 $0x0;
	s6 =	sshll.u32 s3, $0x2  }
0x5: {  	[smem:$0x7FF] =	sst s5;
	s0 =	sadd.s32 s6, s0  }
0x6: {  	s30 =	simm.s32 $0x2;
	_ =	strace $0x80000047;
	s0 =	sadd.s32 $0xA00, s0  }
0x7: {  	[tilespmem:s5], [sflag:$0x2] =	stream.linear.gather [hbm4b:s0+s5], $0x20, $0x38;
	[tilespmem:$0x100] =	vst v63  }
0x8: {  	_ =	swait.ge [sflag:s30], $0x20  }
0x9: {  	s7 =	simm.s32 $0x20;
	[sflag:s30] =	ssyncset.done $0x0  }
0xa: {  	s8 =	simm.s32 $0x80;
	s31 =	simm.s32 $0x1;
	[sflag:s30] =	ssyncadd.s32 $0xFFFFFFE0  }
0xb: {  	[tilespmem:s8], [sflag:$0x1] =	stream.indirect.gather [hbm4b:s1+s7], $0x1, s5, s7, $0xb8;
	[tilespmem:$0x100] =	vst v63  }
0xc: {  	_ =	swait.ge [sflag:s31], $0x20  }
0xd: {  	[sflag:s31] =	ssyncset.done $0x0  }
0xe: {  	s2 =	sadd.s32 s2, s6;
	[sflag:s31] =	ssyncadd.s32 $0xFFFFFFE0  }
0xf: {  	[hbm4b:s2+s5] =	stream.linear.scatter [tilespmem:s8], [sflag:$0x2], $0x20, $0x38;
	[tilespmem:$0x100] =	vst v63  }
0x10: {  	_ =	swait.ge [sflag:s30], $0x20  }
0x11: {  	[sflag:s30] =	ssyncset.done $0x0  }
0x12: {  	[sflag:s30] =	ssyncadd.s32 $0xFFFFFFE0  }
0x13: {  	_ =	sfence.sel $0x180000  }
0x14: {  	[bflag:$0x0] =	sbarrier.arrive $0xFFFF  }
0x15: {  	p0 =	sne.s32 s3, $0x0;
	_ =	strace $0x90000047  }
0x16: {  	s0 =	sadd.s32 @!p0 $0x100000, s4;
	[bflag:$0x2] =	sbarrier.arrive $0xFFFF  }
0x17: {  	[sflag:s0] =	ssyncadd.tile.s32 @!p0 $0x1;
	_ =	shalt  }
.Lfunc_end2:
_tile_overlayer_lowered:
.L_overlay_start_2:
0x18: {  	(tag) =	ssettag $0x2  }
0x19: {  	s0 =	rddreg [dreg:$0x0];
	s2 =	stileid.u32  }
0x1a: {  	s1 =	rddreg [dreg:$0x1];
	p0 =	sne.s32 s2, $0x0  }
0x1b: {  	s3 =	rddreg [dreg:$0x2];
	[bflag:$0x3] =	sbarrier.arrive $0xFFFF;
	s2 =	simm.s32 @!p0 $0x1C02  }
0x1c: {  	[timem:s3], [sflag:s2] =	dma.local @!p0 [hbm:s0], s1  }
0x1d: {  	s0 =	simm.s32 @!p0 $0x2  }
0x1e: {  	_ =	swait.ge @!p0 [sflag:s0], s1  }
0x1f: {  	s1 =	ssub.s32 @!p0 $0x0, s1;
	[sflag:s0] =	ssyncset.done @!p0 $0x0  }
0x20: {  	[sflag:s0] =	ssyncadd.s32 @!p0 s1  }
0x21: {  	[bflag:$0x3] =	sbarrier.arrive $0xFFFF  }
0x22: {  	_ =	shalt  }

</sc_bundles>
